<compile_context>
chip_gen: v7x
topology: tpu7x:2x2x1
jax: 0.10.2.dev20260603
libtpu: 0.0.44.dev20260713+nightly
codegen_flags: <defaults>
</compile_context>

<pallas_src>
import jax
import jax.numpy as jnp
from jax.experimental import pallas as pl

EPS_ = 0.1


def _zono_body(x_ref, o_ref):
    xv = x_ref[0]
    lo = xv < EPS_
    hi = xv > 1.0 - EPS_
    center = jnp.where(lo, (xv + EPS_) * 0.5,
             jnp.where(hi, (xv + 1.0 - EPS_) * 0.5, xv))
    err = jnp.where(lo, (EPS_ + xv) * 0.5,
          jnp.where(hi, (1.0 - xv + EPS_) * 0.5, jnp.full_like(xv, EPS_)))
    E, P = o_ref.shape[1], o_ref.shape[2]
    rows = jax.lax.broadcasted_iota(jnp.int32, (E, P), 0)
    cols = jax.lax.broadcasted_iota(jnp.int32, (E, P), 1)
    out = jnp.where(rows == 0, center,
          jnp.where(rows == cols + 1, err, 0.0))
    o_ref[0] = out


def kernel(x):
    B, C, H, W = x.shape
    P = C * H * W
    E = 1 + P
    x2 = x.reshape(B, 1, P)
    out = pl.pallas_call(
        _zono_body,
        grid=(B,),
        in_specs=[pl.BlockSpec((1, 1, P), lambda b: (b, 0, 0))],
        out_specs=pl.BlockSpec((1, E, P), lambda b: (b, 0, 0)),
        out_shape=jax.ShapeDtypeStruct((B, E, P), x.dtype),
    )(x2)
    return out.reshape(B, E, C, H, W)

# --- scband reference (transcript-rebuilt; emitter-appended) ---
"""Pipeline reference for scband-transformed-input-15221364097579 (READ-ONLY COPY).

The authoritative reference and input builder live on the scoring server;
editing this copy changes nothing except your own understanding.
"""

import jax, jax.numpy as jnp
import numpy as np

EPS = 0.1


def setup_inputs(seed: int = 0) -> dict:
    key = jax.random.key(seed)
    x = jax.random.uniform(key, (32, 1, 28, 28), dtype=jnp.float32)
    return {"x": x}


def _zonotope(x):
    B, C, H, W = x.shape
    eps = EPS
    lo = x < eps
    hi = x > 1.0 - eps
    # new center (pixel) values, matching the three branches of the torch loop
    center = jnp.where(lo, (x + eps) / 2.0,
             jnp.where(hi, (x + 1.0 - eps) / 2.0, x))
    # new error-term magnitudes
    err = jnp.where(lo, (eps + x) / 2.0,
          jnp.where(hi, (1.0 - x + eps) / 2.0, jnp.full_like(x, eps)))
    z = jnp.zeros((B, 1 + C * H * W, C, H, W), dtype=x.dtype)
    # center plane at error-index 0
    z = z.at[:, 0].set(center)
    # NOTE: in the original torch code, i_error is reset to 1 for every channel f,
    # so the error index along dim 1 is 1 + (i_h * W + i_w), independent of f.
    b_idx = jnp.arange(B)[:, None, None, None]
    f_idx = jnp.arange(C)[None, :, None, None]
    e_idx = (1 + jnp.arange(H * W)).reshape(H, W)[None, None, :, :]
    h_idx = jnp.arange(H)[None, None, :, None]
    w_idx = jnp.arange(W)[None, None, None, :]
    z = z.at[b_idx, e_idx, f_idx, h_idx, w_idx].set(err)
    return z


def reference(x):
    return _zonotope(x)

if __name__ == "__main__":
    import jax
    _d = setup_inputs()
    print(jax.jit(kernel)(*tuple(_d.values())))

</pallas_src>

<mosaic_0001>
module attributes {stable_mosaic.version = 14 : i64} {
  func.func @_zono_body(%arg0: i32, %arg1: memref<1x1x784xf32, #tpu.memory_space<vmem>>, %arg2: memref<1x785x784xf32, #tpu.memory_space<vmem>>) attributes {dimension_semantics = [#tpu.dimension_semantics<arbitrary>], iteration_bounds = array<i64: 32>, scalar_prefetch = 0 : i64, scratch_operands = 0 : i64, tpu.core_type = #tpu.core_type<tc>, window_params = [{transform_indices = @transform_0, window_bounds = array<i64: 1, 1, 784>}, {transform_indices = @transform_1, window_bounds = array<i64: 1, 785, 784>}]} {
    %get3A = arith.constant 0 : index
    %get3A_0 = arith.constant 0 : index
    %get3A_1 = arith.constant 0 : index
    %get3A_2 = vector.load %arg1[%get3A, %get3A_0, %get3A_1] : memref<1x1x784xf32, #tpu.memory_space<vmem>>, vector<1x1x784xf32>
    %get3A_3 = vector.shape_cast %get3A_2 : vector<1x1x784xf32> to vector<1x784xf32>
    %lt3A = arith.constant 1.000000e-01 : f32
    %lt3A_4 = vector.broadcast %lt3A : f32 to vector<1x784xf32>
    %lt3A_5 = arith.cmpf olt, %get3A_3, %lt3A_4 : vector<1x784xf32>
    %gt3A = arith.constant 0.899999976 : f32
    %gt3A_6 = vector.broadcast %gt3A : f32 to vector<1x784xf32>
    %gt3A_7 = arith.cmpf ogt, %get3A_3, %gt3A_6 : vector<1x784xf32>
    %add3A = arith.constant 1.000000e-01 : f32
    %add3A_8 = vector.broadcast %add3A : f32 to vector<1x784xf32>
    %add3A_9 = arith.addf %get3A_3, %add3A_8 : vector<1x784xf32>
    %mul3A = arith.constant 5.000000e-01 : f32
    %mul3A_10 = vector.broadcast %mul3A : f32 to vector<1x784xf32>
    %mul3A_11 = arith.mulf %add3A_9, %mul3A_10 : vector<1x784xf32>
    %add3A_12 = arith.constant 1.000000e+00 : f32
    %add3A_13 = vector.broadcast %add3A_12 : f32 to vector<1x784xf32>
    %add3A_14 = arith.addf %get3A_3, %add3A_13 : vector<1x784xf32>
    %sub3A = arith.constant 1.000000e-01 : f32
    %sub3A_15 = vector.broadcast %sub3A : f32 to vector<1x784xf32>
    %sub3A_16 = arith.subf %add3A_14, %sub3A_15 : vector<1x784xf32>
    %mul3A_17 = arith.constant 5.000000e-01 : f32
    %mul3A_18 = vector.broadcast %mul3A_17 : f32 to vector<1x784xf32>
    %mul3A_19 = arith.mulf %sub3A_16, %mul3A_18 : vector<1x784xf32>
    %select_n3A = arith.select %gt3A_7, %mul3A_19, %get3A_3 : vector<1x784xi1>, vector<1x784xf32>
    %select_n3A_20 = arith.select %lt3A_5, %mul3A_11, %select_n3A : vector<1x784xi1>, vector<1x784xf32>
    %add3A_21 = arith.constant 1.000000e-01 : f32
    %add3A_22 = vector.broadcast %add3A_21 : f32 to vector<1x784xf32>
    %add3A_23 = arith.addf %add3A_22, %get3A_3 : vector<1x784xf32>
    %mul3A_24 = arith.constant 5.000000e-01 : f32
    %mul3A_25 = vector.broadcast %mul3A_24 : f32 to vector<1x784xf32>
    %mul3A_26 = arith.mulf %add3A_23, %mul3A_25 : vector<1x784xf32>
    %sub3A_27 = arith.constant 1.000000e+00 : f32
    %sub3A_28 = vector.broadcast %sub3A_27 : f32 to vector<1x784xf32>
    %sub3A_29 = arith.subf %sub3A_28, %get3A_3 : vector<1x784xf32>
    %add3A_30 = arith.constant 1.000000e-01 : f32
    %add3A_31 = vector.broadcast %add3A_30 : f32 to vector<1x784xf32>
    %add3A_32 = arith.addf %sub3A_29, %add3A_31 : vector<1x784xf32>
    %mul3A_33 = arith.constant 5.000000e-01 : f32
    %mul3A_34 = vector.broadcast %mul3A_33 : f32 to vector<1x784xf32>
    %mul3A_35 = arith.mulf %add3A_32, %mul3A_34 : vector<1x784xf32>
    %broadcast_in_dim3A = arith.constant 1.000000e-01 : f32
    %broadcast_in_dim3A_36 = vector.broadcast %broadcast_in_dim3A : f32 to vector<1x784xf32>
    %select_n3A_37 = arith.select %gt3A_7, %mul3A_35, %broadcast_in_dim3A_36 : vector<1x784xi1>, vector<1x784xf32>
    %select_n3A_38 = arith.select %lt3A_5, %mul3A_26, %select_n3A_37 : vector<1x784xi1>, vector<1x784xf32>
    %iota3A = tpu.iota {dimensions = array<i32: 0>} : vector<785x784xi32>
    %iota3A_39 = tpu.iota {dimensions = array<i32: 1>} : vector<785x784xi32>
    %eq3A = arith.constant 0 : i32
    %eq3A_40 = vector.broadcast %eq3A : i32 to vector<785x784xi32>
    %eq3A_41 = arith.cmpi eq, %iota3A, %eq3A_40 : vector<785x784xi32>
    %add3A_42 = arith.constant 1 : i32
    %add3A_43 = vector.broadcast %add3A_42 : i32 to vector<785x784xi32>
    %add3A_44 = arith.addi %iota3A_39, %add3A_43 : vector<785x784xi32>
    %eq3A_45 = arith.cmpi eq, %iota3A, %add3A_44 : vector<785x784xi32>
    %jit3A = arith.constant 0.000000e+00 : f32
    %broadcast_in_dim3A_46 = vector.shape_cast %select_n3A_38 : vector<1x784xf32> to vector<1x784xf32>
    %broadcast_in_dim3A_47 = vector.broadcast %broadcast_in_dim3A_46 : vector<1x784xf32> to vector<785x784xf32>
    %broadcast_in_dim3A_48 = vector.broadcast %jit3A : f32 to vector<785x784xf32>
    %select_n3A_49 = arith.select %eq3A_45, %broadcast_in_dim3A_47, %broadcast_in_dim3A_48 : vector<785x784xi1>, vector<785x784xf32>
    %broadcast_in_dim3A_50 = vector.shape_cast %select_n3A_20 : vector<1x784xf32> to vector<1x784xf32>
    %broadcast_in_dim3A_51 = vector.broadcast %broadcast_in_dim3A_50 : vector<1x784xf32> to vector<785x784xf32>
    %select_n3A_52 = arith.select %eq3A_41, %broadcast_in_dim3A_51, %select_n3A_49 : vector<785x784xi1>, vector<785x784xf32>
    %swap3A = arith.constant 0 : index
    %swap3A_53 = arith.constant 0 : index
    %swap3A_54 = arith.constant 0 : index
    %swap3A_55 = vector.load %arg2[%swap3A, %swap3A_53, %swap3A_54] : memref<1x785x784xf32, #tpu.memory_space<vmem>>, vector<1x785x784xf32>
    %swap3A_56 = vector.shape_cast %swap3A_55 : vector<1x785x784xf32> to vector<785x784xf32>
    %swap3A_57 = vector.shape_cast %select_n3A_52 : vector<785x784xf32> to vector<1x785x784xf32>
    tpu.vector_store %arg2[%swap3A, %swap3A_53, %swap3A_54], %swap3A_57 {strides = array<i32>} : memref<1x785x784xf32, #tpu.memory_space<vmem>>, vector<1x785x784xf32>,
    return
  }
  func.func @transform_0(%arg0: i32) -> (i32, i32, i32) {
    %c0_i32 = arith.constant 0 : i32
    %c0_i32_0 = arith.constant 0 : i32
    %c0_i32_1 = arith.constant 0 : i32
    return %arg0, %c0_i32, %c0_i32_0 : i32, i32, i32
  }
  func.func @transform_1(%arg0: i32) -> (i32, i32, i32) {
    %c0_i32 = arith.constant 0 : i32
    %c0_i32_0 = arith.constant 0 : i32
    %c0_i32_1 = arith.constant 0 : i32
    return %arg0, %c0_i32, %c0_i32_0 : i32, i32, i32
  }
}

</mosaic_0001>

<sc_bundles>
// kernel: sparse-core-data-format-call.cloned.1.call-start
scs
called_computation_lowered:
.L_overlay_start_0:
0x0: {  	s2 =	sld [smem:$0x3FD9]  }
0x1: {  	s3 =	sld [smem:$0x3FFE];
	_ =	sdelay $0x1  }
0x2: {  	s1 =	srdreg.scid  }
0x3: {  	s0 =	sand.u32 $0x1, s1  }
0x4: {  	s18 =	sshll.u32 s0, $0xA;
	s2 =	sadd.s32 s3, s2  }
0x5: {  	s2 =	sadd.s32 s2, s18  }
0x6: {  	[smem:$0x3FC7] =	sst s2  }
0x7: {  	_ = 	snop  }
0x8: {  	s2 =	sld [smem:$0x3FD0];
	(tm) =	ssettm $0x1  }
0x9: {  	s19 =	sld [smem:$0x3FFB];
	_ =	sdelay $0x3  }
0xa: {  	_ =	strace s19  }
0xb: {  	s3 =	sld [smem:$0x3FFC];
	_ =	sdelay $0x3  }
0xc: {  	_ =	strace s3  }
0xd: {  	s3 =	sld [smem:$0x3FFD];
	_ =	sdelay $0x3  }
0xe: {  	_ =	strace s3  }
0xf: {  	_ =	strace $0x8FFFFFFF  }
0x10: {  	s20 =	sld [smem:$0x3FDB];
	_ =	sdelay $0x1  }
0x11: {  	s4 =	simm.s32 $_scs_section_size  }
0x12: {  	s5 =	simm.s32 $_size__tile_overlayer_lowered;
	s6 =	simm.s32 $_tile_overlayer_lowered  }
0x13: {  	s23 =	simm.s32 $0x1BFF;
	s22 =	sshll.u32 s6, $0x1;
	s3 =	sadd.s32 s4, s20  }
0x14: {  	s7 =	simm.s32 $0x0;
	s21 =	sshll.u32 s5, $0x1;
	s5 =	sadd.s32 s22, s3  }
0x15: {  	[timem:s7], [sflag:s23] =	dma.local [hbm:s5], s21  }
0x16: {  	_ =	swait.ge [sflag:s23], s21  }
0x17: {  	s4 =	ssub.s32 $0x0, s21;
	[sflag:s23] =	ssyncset.done $0x0  }
0x18: {  	[sflag:s23] =	ssyncadd.s32 s4;
	_ =	sdelay $0x1  }
0x19: {  	s24 =	simm.s32 $0x1B8B  }
0x1a: {  	_ =	swait.ge [sflag:s24], $0x1  }
0x1b: {  	[sflag:s24] =	ssyncset.done $0x0  }
0x1c: {  	s26 =	simm.s32 $0x1B8E;
	s25 =	sld [smem:$0x3FFE];
	[sflag:s24] =	ssyncadd.s32 $0xFFFFFFFF  }
0x1d: {  	s27 =	simm.s32 $execute0_lowered;
	[smem:$0x3FD2] =	sst s26  }
0x1e: {  	s5 =	sshll.u32 s27, $0x1;
	_ =	strace $0x80000046;
	[dreg:$0x1] =	wrdreg $0xFFFFFFFF  }
0x1f: {  	s28 =	simm.s32 $_size_execute0_lowered;
	s3 =	sadd.s32 s3, s5;
	[dreg:$0x0] =	wrdreg $0x0  }
0x20: {  	s5 =	sshll.u32 s28, $0x1;
	[dreg:$0x2] =	wrdreg s3  }
0x21: {  	[dreg:$0x3] =	wrdreg s5  }
0x22: {  	[dreg:$0x4] =	wrdreg $0xC0  }
0x23: {  	_ =	task [dreg:s7], $0x5FFFF  }
0x24: {  	[dreg:$0x1] =	wrdreg $0xFFFFFFFF  }
0x25: {  	[dreg:$0x0] =	wrdreg $0x60  }
0x26: {  	[dreg:$0x2] =	wrdreg s25  }
0x27: {  	[dreg:$0x3] =	wrdreg s2  }
0x28: {  	[dreg:$0x4] =	wrdreg $0x9  }
0x29: {  	_ =	task.clear_ibuf [dreg:s7], $0x5FFFF;
	_ =	strace $0x90000046  }
0x2a: {  	s29 =	simm.s32 $0x9;
	_ =	strace $0x80000048  }
0x2b: {  	_ =	swait.ge [sflag:s29], $0x1  }
0x2c: {  	[sflag:s29] =	ssyncadd.s32 $0xFFFFFFFF  }
0x2d: {  	_ =	strace $0x90000048  }
0x2e: {  	_ =	sfence  }
0x2f: {  	s30 =	sld [smem:$0x0];
	_ =	sdelay $0x2  }
0x30: {  	s31 =	sshll.u32 s1, $0xD;
	s1 =	sshrl.u32 s1, $0x2  }
0x31: {  	s3 =	sand.u32 $0x4000, s31;
	s1 =	sadd.s32 s1, s30  }
0x32: {  	s0 =	sor.u32 s3, s0;
	s1 =	sshll.u32 s1, $0x11  }
0x33: {  	s0 =	sor.u32 s1, s0  }
0x34: {  	s0 =	sadd.s32 $0x8F2B, s0  }
0x35: {  	[sflag:s0] =	ssyncadd.remote.s32 $0x1  }
0x36: {  	_ =	sfence.sel $0xFFFF  }
0x37: {  	[dreg:$0x0] =	wrdreg $0xFFFFFFFF;
	(pc) =	sbr.abs _section_cstart, $3  }
0x38: {  	[dreg:$0x1] =	wrdreg $0xFFFFFFFF  }
0x39: {  	_ =	task.clear_ibuf [dreg:s7], $0x2FFFF;
	_ =	strace $0x9FFFFFFF  }
0x3a: {  	(tm) =	ssettm $0x7FFFFFFF  }
0x3b: {  	_ =	shalt  }
tec
execute0_lowered:
.L_overlay_start_1:
0x0: {  	(tag) =	ssettag $0x1  }
0x1: {  	s0 =	srdreg.scid  }
0x2: {  	s6 =	rddreg [dreg:$0x0];
	s1 =	sshll.u32 s0, $0x4  }
0x3: {  	s3 =	rddreg [dreg:$0x1];
	s0 =	stileid.u32;
	s1 =	sand.u32 $0x10, s1  }
0x4: {  	s7 =	simm.s32 $0x2;
	s15 =	simm.s32 $0x0;
	s2 =	sor.u32 s0, s1  }
0x5: {  	s8 =	simm.s32 $0xAB800;
	s9 =	simm.s32 $0x0;
	s1 =	ssub.s32 $0x1C, s2  }
0x6: {  	s16 =	simm.s32 $0x0;
	s17 =	simm.s32 $0x0;
	p0 =	sgt.s32 s1, $0x0  }
0x7: {  	s18 =	simm.s32 $0x0;
	s10 =	simm.s32 $0x0;
	s1 =	simm.s32 @!p0 $0x0  }
.Ltmp0:
0x8: {  	s11 =	simm.s32 $0x0;
	s4 =	sadd.s32 $0x1F, s1;
	(pc) =	sbr.rel .LBB1_1-.Ltmp0, $4  }
0x9: {  	s12 =	simm.s32 $0x0;
	s1 =	rddreg [dreg:$0x2];
	s5 =	sshrl.u32 s4, $0x5  }
0xa: {  	_ =	strace $0x80000047;
	s4 =	simm.s32 $0x1;
	s5 =	smul.u32 $0xC4, s5  }
0xb: {  	s14 =	simm.s32 $0x0;
	s6 =	sadd.s32 $0x2B5400, s6;
	[sflag:s4] =	ssyncpa.u1 $0x0  }
0xc: {  	s13 =	smov.u32 s2;
	[sflag:s7] =	ssyncpa.u1 $0x0;
	s7 =	sor.u32 $0x1, s5  }
.LBB1_4:
0xd: {  	_ =	sdelay $0x3  }
0xe: {  	[tilespmem:v0+s21+$0xFFFFFFA0 ss:$0x1] =	vst.idx.msk $0xffff, v6  }
0xf: {  	v56 =	vld.idx.msk [tilespmem:v1+s20+$0x30 ss:$0x1], $0xffff;
	[tilespmem:v0+s21+$0xFFFFFFB0 ss:$0x1] =	vst.idx.msk $0xffff, v4  }
0x10: {  	v57 =	vld.idx.msk [tilespmem:v1+s20+$0xFFFFFFC0 ss:$0x1], $0xffff;
	[tilespmem:v0+s21+$0xFFFFFFC0 ss:$0x1] =	vst.idx.msk $0xffff, v2  }
0x11: {  	v58 =	vld.idx.msk [tilespmem:v1+s20+$0xFFFFFFD0 ss:$0x1], $0xffff;
	[tilespmem:v0+s21+$0xFFFFFFD0 ss:$0x1] =	vst.idx.msk $0xffff, v3  }
0x12: {  	v59 =	vld.idx.msk [tilespmem:v1+s20+$0xFFFFFFE0 ss:$0x1], $0xffff;
	[tilespmem:v0+s21+$0xFFFFFFE0 ss:$0x1] =	vst.idx.msk $0xffff, v5  }
0x13: {  	s22 =	sshrl.u32 s15, $0x7;
	[tilespmem:v0+s21+$0xFFFFFFF0 ss:$0x1] =	vst.idx.msk $0xffff, v7;
	v60 =	vld.idx.msk [tilespmem:v1+s20+$0xFFFFFFF0 ss:$0x1], $0xffff  }
0x14: {  	v61 =	vld.idx.msk [tilespmem:v1+s20+$0x0 ss:$0x1], $0xffff;
	s27 =	smulhi.u32 $0x24924925, s22;
	[tilespmem:v0+s20+$0x0 ss:$0x1] =	vst.idx.msk $0xffff, v56  }
0x15: {  	v62 =	vld.idx.msk [tilespmem:v1+s20+$0x10 ss:$0x1], $0xffff;
	s18 =	smul.u32 $0xC40, s18;
	[tilespmem:v0+s20+$0xFFFFFF90 ss:$0x1] =	vst.idx.msk $0xffff, v57  }
0x16: {  	v63 =	vld.idx.msk [tilespmem:v1+s20+$0x20 ss:$0x1], $0xffff;
	s21 =	smul.u32 $0x380, s27;
	[tilespmem:v0+s20+$0xFFFFFFA0 ss:$0x1] =	vst.idx.msk $0xffff, v58  }
0x17: {  	s17 =	smul.u32 $0x70, s17;
	[tilespmem:v0+s20+$0xFFFFFFB0 ss:$0x1] =	vst.idx.msk $0xffff, v59  }
0x18: {  	s16 =	smul.u32 $0x15700, s16;
	s18 =	sadd.s32 s3, s18;
	[tilespmem:v0+s20+$0xFFFFFFC0 ss:$0x1] =	vst.idx.msk $0xffff, v60;
	s28 =	ssub.s32 s15, s21  }
0x19: {  	s17 =	sadd.s32 s17, s18;
	[tilespmem:v0+s20+$0xFFFFFFD0 ss:$0x1] =	vst.idx.msk $0xffff, v61;
	s29 =	sand.u32 $0x7, s28  }
0x1a: {  	s16 =	sadd.s32 s16, s17;
	[tilespmem:v0+s20+$0xFFFFFFE0 ss:$0x1] =	vst.idx.msk $0xffff, v62;
	s15 =	sshrl.u32 s28, $0x3;
	s30 =	sshll.u32 s29, $0x12  }
0x1b: {  	[tilespmem:v0+s20+$0xFFFFFFF0 ss:$0x1] =	vst.idx.msk $0xffff, v63;
	s15 =	sadd.s32 s15, s16;
	s31 =	sor.u32 $0x80, s30  }
0x1c: {  	[hbm4b:s15+s31] =	stream.strided.scatter [tilespmem:s19], [sflag:$0x2], $0x1000, s8, s31, $0x38;
	[tilespmem:$0x4000] =	vst v63  }
.LBB1_5:
0x1d: {  	s19 =	sadd.s32 $0x80, s10  }
0x1e: {  	s15 =	sadd.s32 $0x20, s11;
	s20 =	smov.u32 s11;
	p1 =	sgt.s32 s19, $0x310  }
0x1f: {  	s20 =	smov.u32 @p1 s15  }
0x20: {  	s15 =	simm.s32 $0x1;
	p2 =	sgt.s32 s20, $0x1F  }
0x21: {  	s15 =	simm.s32 @!p2 $0x0  }
0x22: {  	s21 =	sadd.s32 s15, s12  }
0x23: {  	s22 =	smov.u32 s13;
	s15 =	sadd.s32 $0x20, s13;
	p3 =	sgt.s32 s21, $0x1B  }
0x24: {  	p0 =	slt.u32 s14, $0x2;
	s22 =	smov.u32 @p3 s15  }
0x25: {  	s16 =	smov.u32 s11;
	s19 =	simm.s32 @p1 $0x0;
	p1 =	sgt.s32 s22, $0x1B  }
0x26: {  	s23 =	simm.s32 @!p0 $0x2;
	s22 =	smov.u32 @p1 s2;
	p1 =	sne.s32 s14, s7  }
.Ltmp1:
0x27: {  	s17 =	smov.u32 s12;
	_ =	swait.ge @!p0 [sflag:s23], $0x1000;
	(pc) =	sbr.rel @!p1 .LBB1_6-.Ltmp1, $4  }
0x28: {  	s18 =	smov.u32 s13;
	[sflag:s23] =	ssyncset.done @!p0 $0x0;
	s20 =	simm.s32 @p2 $0x0  }
0x29: {  	s9 =	sadd.s32 $0x1000, s9;
	[sflag:s23] =	ssyncadd.s32 @!p0 $0xFFFFF000;
	s11 =	smov.u32 s20  }
0x2a: {  	s21 =	simm.s32 @p3 $0x0;
	s15 =	smov.u32 s10;
	s10 =	smov.u32 s19  }
0x2b: {  	s12 =	smov.u32 s21;
	s14 =	sadd.s32 $0x1, s14;
	s13 =	smov.u32 s22  }
.LBB1_1:
0x2c: {  	p0 =	sge.u32 s14, s5  }
0x2d: {  	s19 =	sshrl.u32 @!p0 s11, $0x3  }
0x2e: {  	s20 =	sshll.u32 @!p0 s10, $0x3;
	s19 =	smul.u32 @!p0 $0x1C00, s19  }
0x2f: {  	s21 =	sshll.u32 @!p0 s11, $0x7;
	s20 =	sand.u32 @!p0 $0xFFFFFC00, s20  }
0x30: {  	s19 =	sadd.s32 @!p0 s19, s20;
	s20 =	sand.u32 @!p0 $0x380, s21  }
0x31: {  	s19 =	sor.u32 @!p0 s20, s19  }
0x32: {  	s20 =	sshrl.u32 @!p0 s19, $0x7  }
0x33: {  	s20 =	smulhi.u32 @!p0 $0x24924925, s20  }
0x34: {  	s31 =	sadd.s32 $0xFFFFFFFF, s14;
	s24 =	smul.u32 @!p0 $0x18800, s13;
	s21 =	sxor.u32 @!p0 $0xFFFFFFFF, s14  }
0x35: {  	s23 =	sand.u32 @!p0 $0x7F, s10;
	s21 =	sshll.u32 @!p0 s21, $0xC;
	s22 =	smul.u32 @!p0 $0x380, s20  }
0x36: {  	s19 =	sor.u32 @!p0 s23, s19;
	s23 =	smul.u32 @!p0 $0xE00, s12;
	s20 =	sand.u32 @!p0 $0x1F, s20  }
0x37: {  	s20 =	smul.u32 @!p0 $0x70, s20;
	s19 =	ssub.s32 @!p0 s19, s22;
	s22 =	sadd.s32 @!p0 s6, s24  }
0x38: {  	s21 =	sand.u32 @!p0 $0x1000, s21;
	s22 =	sadd.s32 @!p0 s23, s22;
	s23 =	sand.u32 @!p0 $0x7, s19  }
0x39: {  	s19 =	sshrl.u32 @!p0 s19, $0x3;
	s20 =	sadd.s32 @!p0 s20, s22;
	s22 =	sshll.u32 @!p0 s23, $0x12  }
0x3a: {  	s19 =	sadd.s32 @!p0 s19, s20;
	s20 =	sor.u32 @!p0 $0x400, s22;
	s22 =	simm.s32 @!p0 $0x1C00  }
0x3b: {  	[tilespmem:s21], [sflag:$0x1] =	stream.strided.gather @!p0 [hbm4b:s19+s20], $0x1000, s22, s20, $0x38;
	[tilespmem:$0x4000] =	vst v63  }
0x3c: {  	p0 =	sge.u32 s31, s5  }
.Ltmp2:
0x3d: {  	_ = 	snop;
	(pc) =	sbr.rel @p0 .LBB1_5-.Ltmp2, $1  }
0x3e: {  	_ =	sdelay $0x3  }
0x3f: {  	s19 =	sand.u32 $0x1000, s9  }
0x40: {  	s20 =	sor.u32 $0x40, s19  }
0x41: {  	v1 =	vmov s20;
	_ =	sdelay $0x1  }
0x42: {  	_ =	swait.ge [sflag:s4], $0x1000  }
0x43: {  	[sflag:s4] =	ssyncset.done $0x0  }
0x44: {  	s21 =	simm.s32 $0x0;
	[sflag:s4] =	ssyncadd.s32 $0xFFFFF000  }
0x45: {  	s19 =	sor.u32 $0x2070, s19;
	v7 =	vld.idx.msk [tilespmem:v1+s21+$0x30 ss:$0x1], $0xffff  }
0x46: {  	v0 =	vmov s19;
	v8 =	vld.idx.msk [tilespmem:v1+s21+$0xFFFFFFC0 ss:$0x1], $0xffff  }
0x47: {  	v6 =	vld.idx.msk [tilespmem:v1+s21+$0xFFFFFFD0 ss:$0x1], $0xffff  }
0x48: {  	v4 =	vld.idx.msk [tilespmem:v1+s21+$0xFFFFFFE0 ss:$0x1], $0xffff  }
0x49: {  	v2 =	vld.idx.msk [tilespmem:v1+s21+$0xFFFFFFF0 ss:$0x1], $0xffff  }
0x4a: {  	s31 =	sshll.u32 s14, $0xC;
	v3 =	vld.idx.msk [tilespmem:v1+s21+$0x0 ss:$0x1], $0xffff  }
0x4b: {  	s19 =	sand.u32 $0x1000, s31;
	v5 =	vld.idx.msk [tilespmem:v1+s21+$0x10 ss:$0x1], $0xffff;
	[tilespmem:v0+s21+$0x0 ss:$0x1] =	vst.idx.msk $0xffff, v7  }
0x4c: {  	s22 =	simm.s32 $0x400;
	s20 =	simm.s32 $0x80;
	s19 =	sor.u32 $0x2000, s19;
	[tilespmem:v0+s21+$0xFFFFFF90 ss:$0x1] =	vst.idx.msk $0xffff, v8;
	v7 =	vld.idx.msk [tilespmem:v1+s21+$0x20 ss:$0x1], $0xffff  }
.LBB1_3:
0x4d: {  	p0 =	sne.s32 s22, $0x3E00;
	v8 =	vld.idx.msk [tilespmem:v1+s20+$0x30 ss:$0x1], $0xffff;
	[tilespmem:v0+s21+$0xFFFFFFA0 ss:$0x1] =	vst.idx.msk $0xffff, v6  }
0x4e: {  	v9 =	vld.idx.msk [tilespmem:v1+s20+$0xFFFFFFC0 ss:$0x1], $0xffff;
	[tilespmem:v0+s21+$0xFFFFFFB0 ss:$0x1] =	vst.idx.msk $0xffff, v4  }
0x4f: {  	v6 =	vld.idx.msk [tilespmem:v1+s20+$0xFFFFFFD0 ss:$0x1], $0xffff;
	[tilespmem:v0+s21+$0xFFFFFFC0 ss:$0x1] =	vst.idx.msk $0xffff, v2  }
.Ltmp3:
0x50: {  	v4 =	vld.idx.msk [tilespmem:v1+s20+$0xFFFFFFE0 ss:$0x1], $0xffff;
	[tilespmem:v0+s21+$0xFFFFFFD0 ss:$0x1] =	vst.idx.msk $0xffff, v3;
	(pc) =	sbr.rel @p0 .LBB1_3-.Ltmp3, $4  }
0x51: {  	v2 =	vld.idx.msk [tilespmem:v1+s20+$0xFFFFFFF0 ss:$0x1], $0xffff;
	[tilespmem:v0+s21+$0xFFFFFFE0 ss:$0x1] =	vst.idx.msk $0xffff, v5  }
0x52: {  	v3 =	vld.idx.msk [tilespmem:v1+s20+$0x0 ss:$0x1], $0xffff;
	[tilespmem:v0+s21+$0xFFFFFFF0 ss:$0x1] =	vst.idx.msk $0xffff, v7;
	s21 =	smov.u32 s20  }
0x53: {  	v5 =	vld.idx.msk [tilespmem:v1+s21+$0x10 ss:$0x1], $0xffff;
	[tilespmem:v0+s21+$0x0 ss:$0x1] =	vst.idx.msk $0xffff, v8  }
0x54: {  	s20 =	sshra.s32 s22, $0x2;
	s22 =	sadd.s32 $0x200, s22;
	[tilespmem:v0+s21+$0xFFFFFF90 ss:$0x1] =	vst.idx.msk $0xffff, v9;
	v7 =	vld.idx.msk [tilespmem:v1+s21+$0x20 ss:$0x1], $0xffff  }
.Ltmp4:
0x55: {  	_ = 	snop;
	(pc) =	sbr.rel .LBB1_4-.Ltmp4, $1  }
0x56: {  	_ =	sdelay $0x3  }
.LBB1_6:
0x57: {  	_ =	sfence.sel $0x180000  }
0x58: {  	s2 =	simm.s32 $0x1;
	[bflag:$0x0] =	sbarrier.arrive $0xFFFF  }
0x59: {  	s31 =	simm.s32 $0x2;
	[sflag:s2] =	ssyncpa.u1 $0x1  }
0x5a: {  	[sflag:s31] =	ssyncpa.u1 $0x1  }
0x5b: {  	p0 =	sne.s32 s0, $0x0;
	_ =	strace $0x90000047  }
0x5c: {  	s0 =	sadd.s32 @!p0 $0x100000, s1;
	[bflag:$0x2] =	sbarrier.arrive $0xFFFF  }
0x5d: {  	[sflag:s0] =	ssyncadd.tile.s32 @!p0 $0x1;
	_ =	shalt  }
.Lfunc_end1:
_tile_overlayer_lowered:
.L_overlay_start_2:
0x5e: {  	(tag) =	ssettag $0x2  }
0x5f: {  	s0 =	rddreg [dreg:$0x0];
	s2 =	stileid.u32  }
0x60: {  	s1 =	rddreg [dreg:$0x1];
	p0 =	sne.s32 s2, $0x0  }
0x61: {  	s3 =	rddreg [dreg:$0x2];
	[bflag:$0x3] =	sbarrier.arrive $0xFFFF;
	s2 =	simm.s32 @!p0 $0x1C01  }
0x62: {  	[timem:s3], [sflag:s2] =	dma.local @!p0 [hbm:s0], s1  }
0x63: {  	s0 =	simm.s32 @!p0 $0x1  }
0x64: {  	_ =	swait.ge @!p0 [sflag:s0], s1  }
0x65: {  	s1 =	ssub.s32 @!p0 $0x0, s1;
	[sflag:s0] =	ssyncset.done @!p0 $0x0  }
0x66: {  	[sflag:s0] =	ssyncadd.s32 @!p0 s1  }
0x67: {  	[bflag:$0x3] =	sbarrier.arrive $0xFFFF  }
0x68: {  	_ =	shalt  }

</sc_bundles>
